<compile_context>
chip_gen: v7x
topology: tpu7x:2x2x1
jax: 0.10.2.dev20260603
libtpu: 0.0.44.dev20260713+nightly
codegen_flags: <defaults>
</compile_context>

<pallas_src>
import jax
import jax.numpy as jnp
from jax import lax
from jax.experimental import pallas as pl
from jax.experimental.pallas import tpu as pltpu
from jax.experimental.pallas import tpu_sc as plsc

_B = 16
_T = 4096
_L = 64
_LN = 16


def _body(audio_hbm, alens_hbm, caps_hbm, clens_hbm,
          aout_hbm, alout_hbm, cout_hbm, clout_hbm,
          alens_v, clens_v, abuf, cbuf, alout_v, clout_v,
          sem_a, sem_c, sem_l, sem_cl, sem_o):
    row = lax.axis_index("s")

    l_in = pltpu.async_copy(alens_hbm, alens_v, sem_l)
    cl_in = pltpu.async_copy(clens_hbm, clens_v, sem_cl)
    a_in = pltpu.async_copy(audio_hbm.at[pl.ds(row * _T, _T)], abuf, sem_a)
    c_in = pltpu.async_copy(caps_hbm.at[pl.ds(row * _L, _L)], cbuf, sem_c)

    idx = lax.iota(jnp.int32, _LN)
    is_row = idx == row
    l_in.wait()
    lens = alens_v[...]
    key = lens * _LN + (_LN - 1 - idx)
    key_i = jnp.max(jnp.where(is_row, key, -1))
    rank = jnp.sum((key > key_i).astype(jnp.int32))
    alen = jnp.max(jnp.where(is_row, lens, -1))

    @pl.when(row == 0)
    def _alens_out():
        skey, _ = plsc.sort_key_val(key, idx, descending=True)
        alout_v[...] = lax.shift_right_logical(skey, 4)
        pltpu.async_copy(alout_v, alout_hbm, sem_l)

    cl_in.wait()
    clens = clens_v[...]
    clen = jnp.max(jnp.where(is_row, clens, -1))

    @pl.when(row == 1)
    def _clens_out():
        _, order = plsc.sort_key_val(key, idx, descending=True)
        clout_v[...] = plsc.load_gather(clens_v, [order])
        pltpu.async_copy(clout_v, clout_hbm, sem_l)

    c_in.wait()
    for j in range(_L // _LN):
        t = j * _LN + idx
        v = cbuf[pl.ds(j * _LN, _LN)]
        cbuf[pl.ds(j * _LN, _LN)] = jnp.where(t < clen, v, -1)
    c_out = pltpu.async_copy(cbuf, cout_hbm.at[pl.ds(rank * _L, _L)], sem_o)

    a_in.wait()

    @plsc.parallel_loop(0, _T, step=_LN, unroll=8)
    def _mask_audio(off):
        t = off + idx
        v = abuf[pl.ds(off, _LN)]
        abuf[pl.ds(off, _LN)] = jnp.where(t < alen, v, 0.0)

    a_out = pltpu.async_copy(abuf, aout_hbm.at[pl.ds(rank * _T, _T)], sem_o)

    c_out.wait()
    a_out.wait()

    @pl.when(row == 0)
    def _alens_drain():
        pltpu.make_async_copy(alout_v, alout_hbm, sem_l).wait()

    @pl.when(row == 1)
    def _clens_drain():
        pltpu.make_async_copy(clout_v, clout_hbm, sem_l).wait()


def kernel(audio, audio_lens, captions, caption_lens):
    cap_dtype = captions.dtype
    caps32 = captions.astype(jnp.int32).reshape(-1)
    audio_flat = audio.reshape(-1)
    mesh = plsc.VectorSubcoreMesh(core_axis_name="c", subcore_axis_name="s",
                                  num_cores=1)
    out_type = (
        jax.ShapeDtypeStruct((_B * _T,), jnp.float32),
        jax.ShapeDtypeStruct((_B,), jnp.int32),
        jax.ShapeDtypeStruct((_B * _L,), jnp.int32),
        jax.ShapeDtypeStruct((_B,), jnp.int32),
    )
    scratch = [
        pltpu.VMEM((_LN,), jnp.int32),
        pltpu.VMEM((_LN,), jnp.int32),
        pltpu.VMEM((_T,), jnp.float32),
        pltpu.VMEM((_L,), jnp.int32),
        pltpu.VMEM((_LN,), jnp.int32),
        pltpu.VMEM((_LN,), jnp.int32),
        pltpu.SemaphoreType.DMA,
        pltpu.SemaphoreType.DMA,
        pltpu.SemaphoreType.DMA,
        pltpu.SemaphoreType.DMA,
        pltpu.SemaphoreType.DMA,
    ]
    fn = pl.kernel(_body, mesh=mesh, out_type=out_type, scratch_types=scratch,
                   compiler_params=pltpu.CompilerParams(needs_layout_passes=False))
    a, al, c, cl = fn(audio_flat, audio_lens.astype(jnp.int32), caps32,
                      caption_lens.astype(jnp.int32))
    return (a.reshape(_B, _T), al, c.reshape(_B, _L).astype(cap_dtype), cl)

# --- scband reference (transcript-rebuilt; emitter-appended) ---
"""Pipeline reference for scband-pad-collate-6270652252257 (READ-ONLY COPY).

The authoritative reference and input builder live on the scoring server;
editing this copy changes nothing except your own understanding.
"""

import jax, jax.numpy as jnp
import numpy as np

AUDIO_FILL = 0.0
CAPTION_FILL = -1


def setup_inputs(seed: int = 0) -> dict:
    key = jax.random.key(seed)
    k1, k2, k3, k4 = jax.random.split(key, 4)
    audio = jax.random.normal(k1, (16, 4096), dtype=jnp.float32)
    audio_lens = jax.random.randint(k2, (16,), 0, 4096, dtype=jnp.int32)
    captions = jax.random.randint(k3, (16, 64), 0, 10000, dtype=jnp.int64)
    caption_lens = jax.random.randint(k4, (16,), 0, 64, dtype=jnp.int32)
    return {"audio": audio, "audio_lens": audio_lens, "captions": captions, "caption_lens": caption_lens}


def reference(audio, audio_lens, captions, caption_lens):
    # Ragged batch is represented densely as [B, T_max] plus per-sample lengths.
    # Padding == masking positions >= length with the fill value (equivalent to
    # Pad(max_len, fill)(x) followed by stack in the torch module).
    B, T = audio.shape
    amask = jnp.arange(T)[None, :] < audio_lens[:, None]
    audios_batch_pad = jnp.where(amask, audio, jnp.float32(AUDIO_FILL))
    Bc, L = captions.shape
    cmask = jnp.arange(L)[None, :] < caption_lens[:, None]
    captions_batch_pad = jnp.where(cmask, captions, jnp.int64(CAPTION_FILL))
    # sort_batch=True: sort all outputs by audio length, descending (for RNN packing)
    order = jnp.argsort(-audio_lens)
    audios_batch_pad = jnp.take(audios_batch_pad, order, axis=0)
    audio_lens_sorted = jnp.take(audio_lens, order, axis=0)
    captions_batch_pad = jnp.take(captions_batch_pad, order, axis=0)
    caption_lens_sorted = jnp.take(caption_lens, order, axis=0)
    return (audios_batch_pad, audio_lens_sorted, captions_batch_pad, caption_lens_sorted)

if __name__ == "__main__":
    import jax
    _d = setup_inputs()
    print(jax.jit(kernel)(*tuple(_d.values())))

</pallas_src>

<mosaic_0001>
#map = affine_map<(d0, d1) -> (0)>
module attributes {stable_mosaic.version = 14 : i64} {
  func.func @_body(%arg0: i32, %arg1: i32, %arg2: memref<65536xf32, #tpu.memory_space<hbm>>, %arg3: memref<16xi32, #tpu.memory_space<hbm>>, %arg4: memref<1024xi32, #tpu.memory_space<hbm>>, %arg5: memref<16xi32, #tpu.memory_space<hbm>>, %arg6: memref<65536xf32, #tpu.memory_space<hbm>>, %arg7: memref<16xi32, #tpu.memory_space<hbm>>, %arg8: memref<1024xi32, #tpu.memory_space<hbm>>, %arg9: memref<16xi32, #tpu.memory_space<hbm>>, %arg10: memref<16xi32, #tpu.memory_space<vmem>>, %arg11: memref<16xi32, #tpu.memory_space<vmem>>, %arg12: memref<4096xf32, #tpu.memory_space<vmem>>, %arg13: memref<64xi32, #tpu.memory_space<vmem>>, %arg14: memref<16xi32, #tpu.memory_space<vmem>>, %arg15: memref<16xi32, #tpu.memory_space<vmem>>, %arg16: memref<!tpu.dma_semaphore, #tpu.memory_space<semaphore_mem>>, %arg17: memref<!tpu.dma_semaphore, #tpu.memory_space<semaphore_mem>>, %arg18: memref<!tpu.dma_semaphore, #tpu.memory_space<semaphore_mem>>, %arg19: memref<!tpu.dma_semaphore, #tpu.memory_space<semaphore_mem>>, %arg20: memref<!tpu.dma_semaphore, #tpu.memory_space<semaphore_mem>>) attributes {dimension_semantics = [#tpu.dimension_semantics<core_parallel>, #tpu.dimension_semantics<subcore_parallel>], iteration_bounds = array<i64: 1, 16>, scalar_prefetch = 0 : i64, scratch_operands = 11 : i64, tpu.core_type = #tpu.core_type<sc_vector_subcore>, window_params = [{transform_indices = #map}, {transform_indices = #map}, {transform_indices = #map}, {transform_indices = #map}, {transform_indices = #map}, {transform_indices = #map}, {transform_indices = #map}, {transform_indices = #map}]} {
    tpu.enqueue_dma source(%arg3 : memref<16xi32, #tpu.memory_space<hbm>>) target(%arg10 : memref<16xi32, #tpu.memory_space<vmem>>) target_semaphore(%arg18 : memref<!tpu.dma_semaphore, #tpu.memory_space<semaphore_mem>>)
    tpu.enqueue_dma source(%arg5 : memref<16xi32, #tpu.memory_space<hbm>>) target(%arg11 : memref<16xi32, #tpu.memory_space<vmem>>) target_semaphore(%arg19 : memref<!tpu.dma_semaphore, #tpu.memory_space<semaphore_mem>>)
    %mul3A = arith.constant 4096 : i32
    %mul3A_0 = arith.muli %arg1, %mul3A : i32
    %dma_start3A = tpu.memref_slice %arg2[%mul3A_0] : memref<65536xf32, #tpu.memory_space<hbm>> -> memref<4096xf32, #tpu.memory_space<hbm>>
    %dma_start3A_1 = tpu.memref_slice %arg2[%mul3A_0] : memref<65536xf32, #tpu.memory_space<hbm>> -> memref<4096xf32, #tpu.memory_space<hbm>>
    tpu.enqueue_dma source(%dma_start3A_1 : memref<4096xf32, #tpu.memory_space<hbm>>) target(%arg12 : memref<4096xf32, #tpu.memory_space<vmem>>) target_semaphore(%arg16 : memref<!tpu.dma_semaphore, #tpu.memory_space<semaphore_mem>>)
    %mul3A_2 = arith.constant 64 : i32
    %mul3A_3 = arith.muli %arg1, %mul3A_2 : i32
    %dma_start3A_4 = tpu.memref_slice %arg4[%mul3A_3] : memref<1024xi32, #tpu.memory_space<hbm>> -> memref<64xi32, #tpu.memory_space<hbm>>
    %dma_start3A_5 = tpu.memref_slice %arg4[%mul3A_3] : memref<1024xi32, #tpu.memory_space<hbm>> -> memref<64xi32, #tpu.memory_space<hbm>>
    tpu.enqueue_dma source(%dma_start3A_5 : memref<64xi32, #tpu.memory_space<hbm>>) target(%arg13 : memref<64xi32, #tpu.memory_space<vmem>>) target_semaphore(%arg17 : memref<!tpu.dma_semaphore, #tpu.memory_space<semaphore_mem>>)
    %iota3A = tpu.iota {dimensions = array<i32: 0>} : vector<16xi32>
    %eq3A = vector.broadcast %arg1 : i32 to vector<16xi32>
    %eq3A_6 = arith.cmpi eq, %iota3A, %eq3A : vector<16xi32>
    tpu.wait_dma2 semaphore(%arg18 : memref<!tpu.dma_semaphore, #tpu.memory_space<semaphore_mem>>) src(%arg3 : memref<16xi32, #tpu.memory_space<hbm>>) dst(%arg10 : memref<16xi32, #tpu.memory_space<vmem>>)
    %get3A = arith.constant 0 : index
    %get3A_7 = tpu.vector_load %arg10[%get3A] {strides = array<i32>} : memref<16xi32, #tpu.memory_space<vmem>>, vector<16xi32>,
    %mul3A_8 = arith.constant 16 : i32
    %mul3A_9 = vector.broadcast %mul3A_8 : i32 to vector<16xi32>
    %mul3A_10 = arith.muli %get3A_7, %mul3A_9 : vector<16xi32>
    %sub3A = arith.constant 15 : i32
    %sub3A_11 = vector.broadcast %sub3A : i32 to vector<16xi32>
    %sub3A_12 = arith.subi %sub3A_11, %iota3A : vector<16xi32>
    %add3A = arith.addi %mul3A_10, %sub3A_12 : vector<16xi32>
    %jit3A = arith.constant -1 : i32
    %broadcast_in_dim3A = vector.broadcast %jit3A : i32 to vector<16xi32>
    %select_n3A = arith.select %eq3A_6, %add3A, %broadcast_in_dim3A : vector<16xi1>, vector<16xi32>
    %reduce_max3A = arith.constant true
    %reduce_max3A_13 = vector.broadcast %reduce_max3A : i1 to vector<16xi1>
    %reduce_max3A_14 = arith.constant -2147483648 : i32
    %reduce_max3A_15 = vector.broadcast %reduce_max3A_14 : i32 to vector<16xi32>
    %reduce_max3A_16 = arith.xori %select_n3A, %reduce_max3A_15 : vector<16xi32>
    %reduce_max3A_17 = tpu.scan <max>, %reduce_max3A_16 masked %reduce_max3A_13 : vector<16xi32>, vector<16xi1> -> vector<16xi32>
    %reduce_max3A_18 = arith.xori %reduce_max3A_17, %reduce_max3A_15 : vector<16xi32>
    %reduce_max3A_19 = vector.extract %reduce_max3A_18[15] : i32 from vector<16xi32>
    %gt3A = vector.broadcast %reduce_max3A_19 : i32 to vector<16xi32>
    %gt3A_20 = arith.cmpi sgt, %add3A, %gt3A : vector<16xi32>
    %convert_element_type3A = arith.extui %gt3A_20 : vector<16xi1> to vector<16xi32>
    %reduce_sum3A = arith.constant true
    %reduce_sum3A_21 = vector.broadcast %reduce_sum3A : i1 to vector<16xi1>
    %reduce_sum3A_22 = tpu.scan <sum>, %convert_element_type3A masked %reduce_sum3A_21 : vector<16xi32>, vector<16xi1> -> vector<16xi32>
    %reduce_sum3A_23 = vector.extract %reduce_sum3A_22[15] : i32 from vector<16xi32>
    %jit3A_24 = arith.constant -1 : i32
    %broadcast_in_dim3A_25 = vector.broadcast %jit3A_24 : i32 to vector<16xi32>
    %select_n3A_26 = arith.select %eq3A_6, %get3A_7, %broadcast_in_dim3A_25 : vector<16xi1>, vector<16xi32>
    %reduce_max3A_27 = arith.constant true
    %reduce_max3A_28 = vector.broadcast %reduce_max3A_27 : i1 to vector<16xi1>
    %reduce_max3A_29 = arith.constant -2147483648 : i32
    %reduce_max3A_30 = vector.broadcast %reduce_max3A_29 : i32 to vector<16xi32>
    %reduce_max3A_31 = arith.xori %select_n3A_26, %reduce_max3A_30 : vector<16xi32>
    %reduce_max3A_32 = tpu.scan <max>, %reduce_max3A_31 masked %reduce_max3A_28 : vector<16xi32>, vector<16xi1> -> vector<16xi32>
    %reduce_max3A_33 = arith.xori %reduce_max3A_32, %reduce_max3A_30 : vector<16xi32>
    %reduce_max3A_34 = vector.extract %reduce_max3A_33[15] : i32 from vector<16xi32>
    %eq3A_35 = arith.constant 0 : i32
    %eq3A_36 = arith.cmpi eq, %arg1, %eq3A_35 : i32
    %convert_element_type3A_37 = arith.extui %eq3A_36 : i1 to i32
    %cond3A = arith.constant 0 : i32
    %cond3A_38 = arith.cmpi ne, %convert_element_type3A_37, %cond3A : i32
    scf.if %cond3A_38 {
      %masked_sort3A = arith.constant dense<true> : vector<16xi1>
      %masked_sort3A_130 = arith.constant -2147483648 : i32
      %masked_sort3A_131 = vector.broadcast %masked_sort3A_130 : i32 to vector<16xi32>
      %masked_sort3A_132 = arith.xori %add3A, %masked_sort3A_131 : vector<16xi32>
      %masked_sort3A_133, %masked_sort3A_134, %masked_sort3A_135 = tpu.sort %masked_sort3A_132, %iota3A masked %masked_sort3A {descending = true} : (vector<16xi32>, vector<16xi32>, vector<16xi1>) -> (vector<16xi1>, vector<16xi32>, vector<16xi32>)
      %masked_sort3A_136 = arith.xori %masked_sort3A_134, %masked_sort3A_131 : vector<16xi32>
      %shift_right_logical3A = arith.constant 4 : i32
      %shift_right_logical3A_137 = vector.broadcast %shift_right_logical3A : i32 to vector<16xi32>
      %shift_right_logical3A_138 = arith.shrui %masked_sort3A_136, %shift_right_logical3A_137 : vector<16xi32>
      %swap3A_139 = arith.constant 0 : index
      %swap3A_140 = tpu.vector_load %arg14[%swap3A_139] {strides = array<i32>} : memref<16xi32, #tpu.memory_space<vmem>>, vector<16xi32>,
      tpu.vector_store %arg14[%swap3A_139], %shift_right_logical3A_138 {strides = array<i32>} : memref<16xi32, #tpu.memory_space<vmem>>, vector<16xi32>,
      tpu.enqueue_dma source(%arg14 : memref<16xi32, #tpu.memory_space<vmem>>) target(%arg7 : memref<16xi32, #tpu.memory_space<hbm>>) target_semaphore(%arg18 : memref<!tpu.dma_semaphore, #tpu.memory_space<semaphore_mem>>)
    } else {
    }
    tpu.wait_dma2 semaphore(%arg19 : memref<!tpu.dma_semaphore, #tpu.memory_space<semaphore_mem>>) src(%arg5 : memref<16xi32, #tpu.memory_space<hbm>>) dst(%arg11 : memref<16xi32, #tpu.memory_space<vmem>>)
    %get3A_39 = arith.constant 0 : index
    %get3A_40 = tpu.vector_load %arg11[%get3A_39] {strides = array<i32>} : memref<16xi32, #tpu.memory_space<vmem>>, vector<16xi32>,
    %jit3A_41 = arith.constant -1 : i32
    %broadcast_in_dim3A_42 = vector.broadcast %jit3A_41 : i32 to vector<16xi32>
    %select_n3A_43 = arith.select %eq3A_6, %get3A_40, %broadcast_in_dim3A_42 : vector<16xi1>, vector<16xi32>
    %reduce_max3A_44 = arith.constant true
    %reduce_max3A_45 = vector.broadcast %reduce_max3A_44 : i1 to vector<16xi1>
    %reduce_max3A_46 = arith.constant -2147483648 : i32
    %reduce_max3A_47 = vector.broadcast %reduce_max3A_46 : i32 to vector<16xi32>
    %reduce_max3A_48 = arith.xori %select_n3A_43, %reduce_max3A_47 : vector<16xi32>
    %reduce_max3A_49 = tpu.scan <max>, %reduce_max3A_48 masked %reduce_max3A_45 : vector<16xi32>, vector<16xi1> -> vector<16xi32>
    %reduce_max3A_50 = arith.xori %reduce_max3A_49, %reduce_max3A_47 : vector<16xi32>
    %reduce_max3A_51 = vector.extract %reduce_max3A_50[15] : i32 from vector<16xi32>
    %eq3A_52 = arith.constant 1 : i32
    %eq3A_53 = arith.cmpi eq, %arg1, %eq3A_52 : i32
    %convert_element_type3A_54 = arith.extui %eq3A_53 : i1 to i32
    %cond3A_55 = arith.constant 0 : i32
    %cond3A_56 = arith.cmpi ne, %convert_element_type3A_54, %cond3A_55 : i32
    scf.if %cond3A_56 {
      %masked_sort3A = arith.constant dense<true> : vector<16xi1>
      %masked_sort3A_130 = arith.constant -2147483648 : i32
      %masked_sort3A_131 = vector.broadcast %masked_sort3A_130 : i32 to vector<16xi32>
      %masked_sort3A_132 = arith.xori %add3A, %masked_sort3A_131 : vector<16xi32>
      %masked_sort3A_133, %masked_sort3A_134, %masked_sort3A_135 = tpu.sort %masked_sort3A_132, %iota3A masked %masked_sort3A {descending = true} : (vector<16xi32>, vector<16xi32>, vector<16xi1>) -> (vector<16xi1>, vector<16xi32>, vector<16xi32>)
      %masked_sort3A_136 = arith.xori %masked_sort3A_134, %masked_sort3A_131 : vector<16xi32>
      %gather3A = tpu.vector_load_idx %arg11[%masked_sort3A_135] : memref<16xi32, #tpu.memory_space<vmem>>[vector<16xi32>], vector<16xi32>,
      %swap3A_137 = arith.constant 0 : index
      %swap3A_138 = tpu.vector_load %arg15[%swap3A_137] {strides = array<i32>} : memref<16xi32, #tpu.memory_space<vmem>>, vector<16xi32>,
      tpu.vector_store %arg15[%swap3A_137], %gather3A {strides = array<i32>} : memref<16xi32, #tpu.memory_space<vmem>>, vector<16xi32>,
      tpu.enqueue_dma source(%arg15 : memref<16xi32, #tpu.memory_space<vmem>>) target(%arg9 : memref<16xi32, #tpu.memory_space<hbm>>) target_semaphore(%arg18 : memref<!tpu.dma_semaphore, #tpu.memory_space<semaphore_mem>>)
    } else {
    }
    %dma_wait3A = tpu.memref_slice %arg4[%mul3A_3] : memref<1024xi32, #tpu.memory_space<hbm>> -> memref<64xi32, #tpu.memory_space<hbm>>
    %dma_wait3A_57 = tpu.memref_slice %arg4[%mul3A_3] : memref<1024xi32, #tpu.memory_space<hbm>> -> memref<64xi32, #tpu.memory_space<hbm>>
    tpu.wait_dma2 semaphore(%arg17 : memref<!tpu.dma_semaphore, #tpu.memory_space<semaphore_mem>>) src(%dma_wait3A_57 : memref<64xi32, #tpu.memory_space<hbm>>) dst(%arg13 : memref<64xi32, #tpu.memory_space<vmem>>)
    %add3A_58 = arith.constant 0 : i32
    %add3A_59 = vector.broadcast %add3A_58 : i32 to vector<16xi32>
    %add3A_60 = arith.addi %add3A_59, %iota3A : vector<16xi32>
    %get3A_61 = arith.constant 0 : index
    %get3A_62 = tpu.vector_load %arg13[%get3A_61] {strides = array<i32>} : memref<64xi32, #tpu.memory_space<vmem>>, vector<16xi32>,
    %lt3A = vector.broadcast %reduce_max3A_51 : i32 to vector<16xi32>
    %lt3A_63 = arith.cmpi slt, %add3A_60, %lt3A : vector<16xi32>
    %jit3A_64 = arith.constant -1 : i32
    %broadcast_in_dim3A_65 = vector.broadcast %jit3A_64 : i32 to vector<16xi32>
    %select_n3A_66 = arith.select %lt3A_63, %get3A_62, %broadcast_in_dim3A_65 : vector<16xi1>, vector<16xi32>
    %swap3A = arith.constant 0 : index
    %swap3A_67 = tpu.vector_load %arg13[%swap3A] {strides = array<i32>} : memref<64xi32, #tpu.memory_space<vmem>>, vector<16xi32>,
    tpu.vector_store %arg13[%swap3A], %select_n3A_66 {strides = array<i32>} : memref<64xi32, #tpu.memory_space<vmem>>, vector<16xi32>,
    %add3A_68 = arith.constant 16 : i32
    %add3A_69 = vector.broadcast %add3A_68 : i32 to vector<16xi32>
    %add3A_70 = arith.addi %add3A_69, %iota3A : vector<16xi32>
    %get3A_71 = arith.constant 16 : index
    %get3A_72 = tpu.vector_load %arg13[%get3A_71] {strides = array<i32>} : memref<64xi32, #tpu.memory_space<vmem>>, vector<16xi32>,
    %lt3A_73 = vector.broadcast %reduce_max3A_51 : i32 to vector<16xi32>
    %lt3A_74 = arith.cmpi slt, %add3A_70, %lt3A_73 : vector<16xi32>
    %jit3A_75 = arith.constant -1 : i32
    %broadcast_in_dim3A_76 = vector.broadcast %jit3A_75 : i32 to vector<16xi32>
    %select_n3A_77 = arith.select %lt3A_74, %get3A_72, %broadcast_in_dim3A_76 : vector<16xi1>, vector<16xi32>
    %swap3A_78 = arith.constant 16 : index
    %swap3A_79 = tpu.vector_load %arg13[%swap3A_78] {strides = array<i32>} : memref<64xi32, #tpu.memory_space<vmem>>, vector<16xi32>,
    tpu.vector_store %arg13[%swap3A_78], %select_n3A_77 {strides = array<i32>} : memref<64xi32, #tpu.memory_space<vmem>>, vector<16xi32>,
    %add3A_80 = arith.constant 32 : i32
    %add3A_81 = vector.broadcast %add3A_80 : i32 to vector<16xi32>
    %add3A_82 = arith.addi %add3A_81, %iota3A : vector<16xi32>
    %get3A_83 = arith.constant 32 : index
    %get3A_84 = tpu.vector_load %arg13[%get3A_83] {strides = array<i32>} : memref<64xi32, #tpu.memory_space<vmem>>, vector<16xi32>,
    %lt3A_85 = vector.broadcast %reduce_max3A_51 : i32 to vector<16xi32>
    %lt3A_86 = arith.cmpi slt, %add3A_82, %lt3A_85 : vector<16xi32>
    %jit3A_87 = arith.constant -1 : i32
    %broadcast_in_dim3A_88 = vector.broadcast %jit3A_87 : i32 to vector<16xi32>
    %select_n3A_89 = arith.select %lt3A_86, %get3A_84, %broadcast_in_dim3A_88 : vector<16xi1>, vector<16xi32>
    %swap3A_90 = arith.constant 32 : index
    %swap3A_91 = tpu.vector_load %arg13[%swap3A_90] {strides = array<i32>} : memref<64xi32, #tpu.memory_space<vmem>>, vector<16xi32>,
    tpu.vector_store %arg13[%swap3A_90], %select_n3A_89 {strides = array<i32>} : memref<64xi32, #tpu.memory_space<vmem>>, vector<16xi32>,
    %add3A_92 = arith.constant 48 : i32
    %add3A_93 = vector.broadcast %add3A_92 : i32 to vector<16xi32>
    %add3A_94 = arith.addi %add3A_93, %iota3A : vector<16xi32>
    %get3A_95 = arith.constant 48 : index
    %get3A_96 = tpu.vector_load %arg13[%get3A_95] {strides = array<i32>} : memref<64xi32, #tpu.memory_space<vmem>>, vector<16xi32>,
    %lt3A_97 = vector.broadcast %reduce_max3A_51 : i32 to vector<16xi32>
    %lt3A_98 = arith.cmpi slt, %add3A_94, %lt3A_97 : vector<16xi32>
    %jit3A_99 = arith.constant -1 : i32
    %broadcast_in_dim3A_100 = vector.broadcast %jit3A_99 : i32 to vector<16xi32>
    %select_n3A_101 = arith.select %lt3A_98, %get3A_96, %broadcast_in_dim3A_100 : vector<16xi1>, vector<16xi32>
    %swap3A_102 = arith.constant 48 : index
    %swap3A_103 = tpu.vector_load %arg13[%swap3A_102] {strides = array<i32>} : memref<64xi32, #tpu.memory_space<vmem>>, vector<16xi32>,
    tpu.vector_store %arg13[%swap3A_102], %select_n3A_101 {strides = array<i32>} : memref<64xi32, #tpu.memory_space<vmem>>, vector<16xi32>,
    %mul3A_104 = arith.constant 64 : i32
    %mul3A_105 = arith.muli %reduce_sum3A_23, %mul3A_104 : i32
    %dma_start3A_106 = tpu.memref_slice %arg8[%mul3A_105] : memref<1024xi32, #tpu.memory_space<hbm>> -> memref<64xi32, #tpu.memory_space<hbm>>
    %dma_start3A_107 = tpu.memref_slice %arg8[%mul3A_105] : memref<1024xi32, #tpu.memory_space<hbm>> -> memref<64xi32, #tpu.memory_space<hbm>>
    tpu.enqueue_dma source(%arg13 : memref<64xi32, #tpu.memory_space<vmem>>) target(%dma_start3A_107 : memref<64xi32, #tpu.memory_space<hbm>>) target_semaphore(%arg20 : memref<!tpu.dma_semaphore, #tpu.memory_space<semaphore_mem>>)
    %dma_wait3A_108 = tpu.memref_slice %arg2[%mul3A_0] : memref<65536xf32, #tpu.memory_space<hbm>> -> memref<4096xf32, #tpu.memory_space<hbm>>
    %dma_wait3A_109 = tpu.memref_slice %arg2[%mul3A_0] : memref<65536xf32, #tpu.memory_space<hbm>> -> memref<4096xf32, #tpu.memory_space<hbm>>
    tpu.wait_dma2 semaphore(%arg16 : memref<!tpu.dma_semaphore, #tpu.memory_space<semaphore_mem>>) src(%dma_wait3A_109 : memref<4096xf32, #tpu.memory_space<hbm>>) dst(%arg12 : memref<4096xf32, #tpu.memory_space<vmem>>)
    %parallel_loop3A = arith.constant 0 : i32
    %parallel_loop3A_110 = arith.constant 4096 : i32
    %parallel_loop3A_111 = arith.constant 16 : i32
    scf.for %parallel_loop3A_130 = %parallel_loop3A to %parallel_loop3A_110 step %parallel_loop3A_111  : i32 {
      %parallel_loop3A_131 = vector.broadcast %parallel_loop3A_130 : i32 to vector<16xi32>
      %parallel_loop3A_132 = arith.addi %parallel_loop3A_131, %iota3A : vector<16xi32>
      %parallel_loop3A_133 = arith.index_cast %parallel_loop3A_130 : i32 to index
      %parallel_loop3A_134 = tpu.vector_load %arg12[%parallel_loop3A_133] {strides = array<i32>} : memref<4096xf32, #tpu.memory_space<vmem>>, vector<16xf32>,
      %parallel_loop3A_135 = vector.broadcast %reduce_max3A_34 : i32 to vector<16xi32>
      %parallel_loop3A_136 = arith.cmpi slt, %parallel_loop3A_132, %parallel_loop3A_135 : vector<16xi32>
      %parallel_loop3A_137 = arith.constant 0.000000e+00 : f32
      %parallel_loop3A_138 = vector.broadcast %parallel_loop3A_137 : f32 to vector<16xf32>
      %parallel_loop3A_139 = arith.select %parallel_loop3A_136, %parallel_loop3A_134, %parallel_loop3A_138 : vector<16xi1>, vector<16xf32>
      %parallel_loop3A_140 = arith.index_cast %parallel_loop3A_130 : i32 to index
      %parallel_loop3A_141 = tpu.vector_load %arg12[%parallel_loop3A_140] {strides = array<i32>} : memref<4096xf32, #tpu.memory_space<vmem>>, vector<16xf32>,
      tpu.vector_store %arg12[%parallel_loop3A_140], %parallel_loop3A_139 {strides = array<i32>} : memref<4096xf32, #tpu.memory_space<vmem>>, vector<16xf32>,
    } {sc.loop_unroll_factor = 8 : i64, sc.parallel_access}
    %mul3A_112 = arith.constant 4096 : i32
    %mul3A_113 = arith.muli %reduce_sum3A_23, %mul3A_112 : i32
    %dma_start3A_114 = tpu.memref_slice %arg6[%mul3A_113] : memref<65536xf32, #tpu.memory_space<hbm>> -> memref<4096xf32, #tpu.memory_space<hbm>>
    %dma_start3A_115 = tpu.memref_slice %arg6[%mul3A_113] : memref<65536xf32, #tpu.memory_space<hbm>> -> memref<4096xf32, #tpu.memory_space<hbm>>
    tpu.enqueue_dma source(%arg12 : memref<4096xf32, #tpu.memory_space<vmem>>) target(%dma_start3A_115 : memref<4096xf32, #tpu.memory_space<hbm>>) target_semaphore(%arg20 : memref<!tpu.dma_semaphore, #tpu.memory_space<semaphore_mem>>)
    %dma_wait3A_116 = tpu.memref_slice %arg8[%mul3A_105] : memref<1024xi32, #tpu.memory_space<hbm>> -> memref<64xi32, #tpu.memory_space<hbm>>
    %dma_wait3A_117 = tpu.memref_slice %arg8[%mul3A_105] : memref<1024xi32, #tpu.memory_space<hbm>> -> memref<64xi32, #tpu.memory_space<hbm>>
    tpu.wait_dma2 semaphore(%arg20 : memref<!tpu.dma_semaphore, #tpu.memory_space<semaphore_mem>>) src(%arg13 : memref<64xi32, #tpu.memory_space<vmem>>) dst(%dma_wait3A_117 : memref<64xi32, #tpu.memory_space<hbm>>)
    %dma_wait3A_118 = tpu.memref_slice %arg6[%mul3A_113] : memref<65536xf32, #tpu.memory_space<hbm>> -> memref<4096xf32, #tpu.memory_space<hbm>>
    %dma_wait3A_119 = tpu.memref_slice %arg6[%mul3A_113] : memref<65536xf32, #tpu.memory_space<hbm>> -> memref<4096xf32, #tpu.memory_space<hbm>>
    tpu.wait_dma2 semaphore(%arg20 : memref<!tpu.dma_semaphore, #tpu.memory_space<semaphore_mem>>) src(%arg12 : memref<4096xf32, #tpu.memory_space<vmem>>) dst(%dma_wait3A_119 : memref<4096xf32, #tpu.memory_space<hbm>>)
    %eq3A_120 = arith.constant 0 : i32
    %eq3A_121 = arith.cmpi eq, %arg1, %eq3A_120 : i32
    %convert_element_type3A_122 = arith.extui %eq3A_121 : i1 to i32
    %cond3A_123 = arith.constant 0 : i32
    %cond3A_124 = arith.cmpi ne, %convert_element_type3A_122, %cond3A_123 : i32
    scf.if %cond3A_124 {
      tpu.wait_dma2 semaphore(%arg18 : memref<!tpu.dma_semaphore, #tpu.memory_space<semaphore_mem>>) src(%arg14 : memref<16xi32, #tpu.memory_space<vmem>>) dst(%arg7 : memref<16xi32, #tpu.memory_space<hbm>>)
    } else {
    }
    %eq3A_125 = arith.constant 1 : i32
    %eq3A_126 = arith.cmpi eq, %arg1, %eq3A_125 : i32
    %convert_element_type3A_127 = arith.extui %eq3A_126 : i1 to i32
    %cond3A_128 = arith.constant 0 : i32
    %cond3A_129 = arith.cmpi ne, %convert_element_type3A_127, %cond3A_128 : i32
    scf.if %cond3A_129 {
      tpu.wait_dma2 semaphore(%arg18 : memref<!tpu.dma_semaphore, #tpu.memory_space<semaphore_mem>>) src(%arg15 : memref<16xi32, #tpu.memory_space<vmem>>) dst(%arg9 : memref<16xi32, #tpu.memory_space<hbm>>)
    } else {
    }
    return
  }
}

</mosaic_0001>

<sc_bundles>
// kernel: kernel.3.cloned.1.call-start
scs
__scs_entry_jumppad:
0x0: {  	(pc) =	sbr.rel $0x88, $3  }
0x1: {  	(tag) =	ssettag $0x0;
	lr =	simm.s32 $0x1  }
0x2: {  	[smem:$0x3F9D] =	sst lr;
	_ =	strace $0xD0000000  }
0x3: {  	_ = 	snop  }
0x4: {  	_ = 	snop  }
0x5: {  	_ = 	snop  }
0x6: {  	_ = 	snop  }
0x7: {  	_ = 	snop  }
__scs_overlays_trampoline_lowered:
0x8: {  	[smem:$0x3FAC] =	sst s0  }
0x9: {  	[smem:$0x3FAD] =	sst s1  }
0xa: {  	[smem:$0x3FAE] =	sst s2  }
0xb: {  	[smem:$0x3FAF] =	sst s3  }
0xc: {  	[smem:$0x3FB0] =	sst s4  }
0xd: {  	[smem:$0x3FB1] =	sst s5  }
0xe: {  	[smem:$0x3FB2] =	sst s6  }
0xf: {  	[smem:$0x3FB3] =	sst s7  }
0x10: {  	[smem:$0x3FB4] =	sst s8  }
0x11: {  	[smem:$0x3FB5] =	sst s9;
	s0 =	simm.s32 @!p0 $0x0  }
0x12: {  	s1 =	sld [smem:$0x3F9B];
	s0 =	simm.s32 @p0 $0x1  }
0x13: {  	[smem:$0x3FB6] =	sst s0;
	s0 =	simm.s32 @!p1 $0x0  }
0x14: {  	s2 =	sld [smem:$0x3F9A];
	s0 =	simm.s32 @p1 $0x1  }
0x15: {  	[smem:$0x3FB7] =	sst s0;
	s0 =	simm.s32 @!p2 $0x0  }
0x16: {  	s3 =	sld [smem:$0x3FDB];
	s0 =	simm.s32 @p2 $0x1  }
0x17: {  	s4 =	simm.s32 $0x1BF5;
	[smem:$0x3FB9] =	sst s0  }
0x18: {  	s0 =	sld [smem:$0x3F9C];
	_ =	swait.ge [sflag:s4], $0x0  }
0x19: {  	s7 =	sld [smem:$0x3F9D]  }
0x1a: {  	s8 =	sadd.s32 $0xFFFFE003, lr  }
0x1b: {  	s9 =	sadd.s32 $0xFFFFFEF7, lr;
	s5 =	simm.s32 $0xFFFFFFFF;
	p2 =	slt.u32 s8, $0xFFFFF086  }
0x1c: {  	p1 =	slt.u32 s9, $0xF7A;
	s5 =	simm.s32 @!p2 $0x0  }
0x1d: {  	s5 =	simm.s32 @p1 $0x1;
	p0 =	seq.s32 s7, s2  }
0x1e: {  	s7 =	smul.u32 @!p0 $0xF7A, s2;
	p2 =	seq.s32 @!p0 s5, $0x0  }
0x1f: {  	s9 =	smul.u32 $0xF7A, s1;
	s8 =	simm.s32 @!p0 $0x1BF5;
	p2 =	por !p2, p0  }
0x20: {  	[sflag:s8] =	ssyncset.s32 @!p0 $0xFFFFF086;
	s6 =	sadd.s32 @!p0 s3, s7;
	s7 =	simm.s32 @!p0 $0x108  }
0x21: {  	s3 =	sadd.s32 s3, s9;
	s6 =	sadd.s32 @!p0 $0x88, s6;
	s7 =	simm.s32 @p2 $0x1082  }
0x22: {  	[simem:s7], [sflag:s8] =	dma.local @!p0 [hbm:s6], $0xF7A  }
0x23: {  	s9 =	sor.u32 $0xD0000000, s2;
	s6 =	simm.s32 $0x108;
	_ =	swait.ge @!p0 [sflag:s8], $0x0  }
0x24: {  	s3 =	sadd.s32 $0x88, s3;
	s6 =	simm.s32 @!p1 $0x1082;
	[sflag:s4] =	ssyncset.s32 $0xFFFFF086  }
0x25: {  	[simem:s6], [sflag:s4] =	dma.local [hbm:s3], $0xF7A  }
0x26: {  	[smem:$0x3F9D] =	sst s1;
	(tag) =	ssettag s2;
	_ =	strace s9  }
0x27: {  	s1 =	sld [smem:$0x3FAD]  }
0x28: {  	s2 =	sld [smem:$0x3FAE]  }
0x29: {  	s4 =	sld [smem:$0x3FB0]  }
0x2a: {  	p0 =	seq.s32 s5, $0x0;
	s5 =	sld [smem:$0x3FB1]  }
0x2b: {  	s6 =	sld [smem:$0x3FB2]  }
0x2c: {  	s7 =	sld [smem:$0x3FB3]  }
0x2d: {  	s3 =	simm.s32 $0x108;
	s8 =	sld [smem:$0x3FB4]  }
0x2e: {  	s3 =	simm.s32 @!p0 $0x1082;
	s9 =	sld [smem:$0x3FB5]  }
0x2f: {  	lr =	sadd.s32 s0, s3;
	s0 =	sld [smem:$0x3FAC]  }
0x30: {  	s3 =	sld [smem:$0x3FAF]  }
0x31: {  	[smem:$0x3FB8] =	sst s10  }
0x32: {  	s10 =	sld [smem:$0x3FB6];
	_ =	sdelay $0x3  }
0x33: {  	p0 =	seq.s32 s10, $0x1;
	s10 =	sld [smem:$0x3FB8];
	_ =	sdelay $0x3  }
0x34: {  	[smem:$0x3FB8] =	sst s10  }
0x35: {  	s10 =	sld [smem:$0x3FB7];
	_ =	sdelay $0x3  }
0x36: {  	p1 =	seq.s32 s10, $0x1;
	s10 =	sld [smem:$0x3FB8];
	_ =	sdelay $0x3  }
0x37: {  	[smem:$0x3FB8] =	sst s10  }
0x38: {  	s10 =	sld [smem:$0x3FB9]  }
0x39: {  	_ = 	snop;
	(pc) =	sbr.ind lr, $3  }
0x3a: {  	_ = 	snop  }
0x3b: {  	_ = 	snop  }
0x3c: {  	p2 =	seq.s32 s10, $0x1;
	s10 =	sld [smem:$0x3FB8]  }
0x3d: {  	_ =	shalt  }
0x3e: {  	_ =	shalt  }
0x3f: {  	_ =	shalt  }
0x40: {  	_ =	shalt  }
0x41: {  	_ =	shalt  }
0x42: {  	_ =	shalt  }
0x43: {  	_ =	shalt  }
0x44: {  	_ =	shalt  }
0x45: {  	_ =	shalt  }
0x46: {  	_ =	shalt  }
0x47: {  	_ =	shalt  }
0x48: {  	_ =	shalt  }
0x49: {  	_ =	shalt  }
0x4a: {  	_ =	shalt  }
0x4b: {  	_ =	shalt  }
0x4c: {  	_ =	shalt  }
0x4d: {  	_ =	shalt  }
0x4e: {  	_ =	shalt  }
0x4f: {  	_ =	shalt  }
0x50: {  	_ =	shalt  }
0x51: {  	_ =	shalt  }
0x52: {  	_ =	shalt  }
0x53: {  	_ =	shalt  }
0x54: {  	_ =	shalt  }
0x55: {  	_ =	shalt  }
0x56: {  	_ =	shalt  }
0x57: {  	_ =	shalt  }
0x58: {  	_ =	shalt  }
0x59: {  	_ =	shalt  }
0x5a: {  	_ =	shalt  }
0x5b: {  	_ =	shalt  }
0x5c: {  	_ =	shalt  }
0x5d: {  	_ =	shalt  }
0x5e: {  	_ =	shalt  }
0x5f: {  	_ =	shalt  }
0x60: {  	_ =	shalt  }
0x61: {  	_ =	shalt  }
0x62: {  	_ =	shalt  }
0x63: {  	_ =	shalt  }
0x64: {  	_ =	shalt  }
0x65: {  	_ =	shalt  }
0x66: {  	_ =	shalt  }
0x67: {  	_ =	shalt  }
0x68: {  	_ =	shalt  }
0x69: {  	_ =	shalt  }
0x6a: {  	_ =	shalt  }
0x6b: {  	_ =	shalt  }
0x6c: {  	_ =	shalt  }
0x6d: {  	_ =	shalt  }
0x6e: {  	_ =	shalt  }
0x6f: {  	_ =	shalt  }
0x70: {  	_ =	shalt  }
0x71: {  	_ =	shalt  }
0x72: {  	_ =	shalt  }
0x73: {  	_ =	shalt  }
0x74: {  	_ =	shalt  }
0x75: {  	_ =	shalt  }
0x76: {  	_ =	shalt  }
0x77: {  	_ =	shalt  }
0x78: {  	_ =	shalt  }
0x79: {  	_ =	shalt  }
0x7a: {  	_ =	shalt  }
0x7b: {  	_ =	shalt  }
0x7c: {  	_ =	shalt  }
0x7d: {  	_ =	shalt  }
0x7e: {  	_ =	shalt  }
0x7f: {  	_ =	shalt  }
0x80: {  	_ =	shalt  }
0x81: {  	_ =	shalt  }
0x82: {  	_ =	shalt  }
0x83: {  	_ =	shalt  }
0x84: {  	_ =	shalt  }
0x85: {  	_ =	shalt  }
0x86: {  	_ =	shalt  }
0x87: {  	_ =	shalt  }
.Lfunc_end0:
.L_simem_size_0:
called_computation_lowered:
.L_overlay_start_0:
0x88: {  	s0 =	sld [smem:$0x3FD9]  }
0x89: {  	s1 =	sld [smem:$0x3FFE];
	_ =	sdelay $0x3  }
0x8a: {  	s0 =	sadd.s32 s1, s0  }
0x8b: {  	[smem:$0x3FC4] =	sst s0  }
0x8c: {  	_ = 	snop  }
0x8d: {  	s0 =	sld [smem:$0x3FD0];
	_ =	sdelay $0x1  }
0x8e: {  	s13 =	sld [smem:$0x3FC8]  }
0x8f: {  	s3 =	simm.s32 $0xA;
	s4 =	simm.s32 $0x10;
	s2 =	sld [smem:$0x3FC6]  }
0x90: {  	[smem:s4], [sflag:s3] =	dma.local [hbm:s0], $0x1  }
0x91: {  	_ =	swait.eq [sflag:s3], $0x1  }
0x92: {  	s14 =	sld [smem:$0x10]  }
0x93: {  	s15 =	sld [smem:$0x11];
	[sflag:s3] =	ssyncset.done $0x0  }
0x94: {  	s5 =	sld [smem:$0x12];
	[sflag:s3] =	ssyncadd.s32 $0xFFFFFFFF  }
0x95: {  	s16 =	sld [smem:$0x13];
	(tm) =	ssettm $0x1  }
0x96: {  	s6 =	sld [smem:$0x3FFB];
	_ =	sdelay $0x3  }
0x97: {  	_ =	strace s6  }
0x98: {  	s6 =	sld [smem:$0x3FFC];
	_ =	sdelay $0x3  }
0x99: {  	_ =	strace s6  }
0x9a: {  	s6 =	sld [smem:$0x3FFD];
	_ =	sdelay $0x3  }
0x9b: {  	_ =	strace s6  }
0x9c: {  	_ =	strace $0x8FFFFFFF  }
0x9d: {  	s17 =	sld [smem:$0x3FDB];
	_ =	sdelay $0x1  }
0x9e: {  	s7 =	simm.s32 $_scs_section_size  }
0x9f: {  	s8 =	simm.s32 $_size__tile_overlayer_lowered;
	s9 =	simm.s32 $_tile_overlayer_lowered  }
0xa0: {  	s20 =	simm.s32 $0x1BFF;
	s19 =	sshll.u32 s9, $0x1;
	s6 =	sadd.s32 s7, s17  }
0xa1: {  	s10 =	simm.s32 $0x0;
	s18 =	sshll.u32 s8, $0x1;
	s8 =	sadd.s32 s19, s6  }
0xa2: {  	[timem:s10], [sflag:s20] =	dma.local [hbm:s8], s18  }
0xa3: {  	_ =	swait.ge [sflag:s20], s18  }
0xa4: {  	s7 =	ssub.s32 $0x0, s18;
	[sflag:s20] =	ssyncset.done $0x0  }
0xa5: {  	[sflag:s20] =	ssyncadd.s32 s7;
	_ =	sdelay $0x1  }
0xa6: {  	s21 =	simm.s32 $0x1B8B  }
0xa7: {  	_ =	swait.ge [sflag:s21], $0x1  }
0xa8: {  	[sflag:s21] =	ssyncset.done $0x0  }
0xa9: {  	s23 =	simm.s32 $0x1B8E;
	s22 =	sld [smem:$0x3FFE];
	[sflag:s21] =	ssyncadd.s32 $0xFFFFFFFF  }
0xaa: {  	s24 =	simm.s32 $execute0_lowered;
	[smem:$0x3FD2] =	sst s23  }
0xab: {  	s8 =	sshll.u32 s24, $0x1;
	_ =	strace $0x80000046;
	[dreg:$0x1] =	wrdreg $0xFFFFFFFF  }
0xac: {  	s25 =	simm.s32 $_size_execute0_lowered;
	s6 =	sadd.s32 s6, s8;
	[dreg:$0x0] =	wrdreg $0x0  }
0xad: {  	s8 =	sshll.u32 s25, $0x1;
	[dreg:$0x2] =	wrdreg s6  }
0xae: {  	[dreg:$0x3] =	wrdreg s8  }
0xaf: {  	[dreg:$0x4] =	wrdreg $0xC0  }
0xb0: {  	_ =	task [dreg:s10], $0x5FFFF  }
0xb1: {  	[dreg:$0x1] =	wrdreg $0xFFFFFFFF  }
0xb2: {  	[dreg:$0x0] =	wrdreg $0x60  }
0xb3: {  	[dreg:$0x2] =	wrdreg s14  }
0xb4: {  	[dreg:$0x3] =	wrdreg s13  }
0xb5: {  	[dreg:$0x4] =	wrdreg s5  }
0xb6: {  	[dreg:$0x5] =	wrdreg s2  }
0xb7: {  	[dreg:$0x6] =	wrdreg s22  }
0xb8: {  	[dreg:$0x7] =	wrdreg s15  }
0xb9: {  	[dreg:$0x8] =	wrdreg s16  }
0xba: {  	[dreg:$0x9] =	wrdreg $0x9  }
0xbb: {  	_ =	task.clear_ibuf [dreg:s10], $0xAFFFF;
	_ =	strace $0x90000046  }
0xbc: {  	s26 =	simm.s32 $0x9;
	_ =	strace $0x80000048  }
0xbd: {  	_ =	swait.ge [sflag:s26], $0x1  }
0xbe: {  	[sflag:s26] =	ssyncadd.s32 $0xFFFFFFFF  }
0xbf: {  	_ =	strace $0x90000048  }
0xc0: {  	_ =	sfence  }
0xc1: {  	s28 =	sld [smem:$0x0];
	_ =	sdelay $0x1  }
0xc2: {  	s29 =	srdreg.scid  }
0xc3: {  	s30 =	sshll.u32 s29, $0xD;
	s31 =	sshrl.u32 s29, $0x2  }
0xc4: {  	s1 =	sand.u32 $0x1, s29;
	s2 =	sand.u32 $0x4000, s30;
	s0 =	sadd.s32 s31, s28  }
0xc5: {  	s1 =	sor.u32 s2, s1;
	s0 =	sshll.u32 s0, $0x11  }
0xc6: {  	s0 =	sor.u32 s0, s1  }
0xc7: {  	s0 =	sadd.s32 $0x8F2B, s0  }
0xc8: {  	[sflag:s0] =	ssyncadd.remote.s32 $0x1  }
0xc9: {  	_ =	sfence.sel $0xFFFF  }
0xca: {  	[dreg:$0x0] =	wrdreg $0xFFFFFFFF;
	(pc) =	sbr.abs _section_cstart, $3  }
0xcb: {  	[dreg:$0x1] =	wrdreg $0xFFFFFFFF  }
0xcc: {  	_ =	task.clear_ibuf [dreg:s10], $0x2FFFF;
	_ =	strace $0x9FFFFFFF  }
0xcd: {  	(tm) =	ssettm $0x7FFFFFFF  }
tec
execute0_lowered:
.L_overlay_start_1:
0x0: {  	(tag) =	ssettag $0x1  }
0x1: {  	s2 =	rddreg [dreg:$0x0]  }
0x2: {  	s5 =	rddreg [dreg:$0x1]  }
0x3: {  	s7 =	rddreg [dreg:$0x2]  }
0x4: {  	s8 =	rddreg [dreg:$0x3]  }
0x5: {  	s4 =	rddreg [dreg:$0x4]  }
0x6: {  	s9 =	rddreg [dreg:$0x5]  }
0x7: {  	s6 =	rddreg [dreg:$0x6];
	s3 =	simm.s32 $0x0  }
0x8: {  	[smem:$0x7FF] =	sst s3  }
0x9: {  	s0 =	rddreg [dreg:$0x7];
	s1 =	stileid.u32;
	_ =	strace $0x80000047  }
0xa: {  	[tilespmem:s3], [sflag:$0x3] =	stream.linear.gather [hbm4b:s5+s3], $0x80, $0x38;
	[tilespmem:$0x1280] =	vst v63  }
0xb: {  	s10 =	simm.s32 $0x80;
	s11 =	sshll.u32 s1, $0x9  }
0xc: {  	[tilespmem:s10], [sflag:$0x4] =	stream.linear.gather [hbm4b:s8+s3], $0x80, $0x38;
	[tilespmem:$0x1280] =	vst v63  }
0xd: {  	s13 =	simm.s32 $0x100;
	s12 =	sshll.u32 s1, $0x3;
	s2 =	sadd.s32 s2, s11  }
0xe: {  	[tilespmem:s13], [sflag:$0x1] =	stream.linear.gather [hbm4b:s2+s3], $0x1000, $0x38;
	[tilespmem:$0x1280] =	vst v63  }
0xf: {  	s15 =	simm.s32 $0x1100;
	s16 =	simm.s32 $0x3;
	s14 =	sadd.s32 s7, s12  }
0x10: {  	[tilespmem:s15], [sflag:$0x2] =	stream.linear.gather [hbm4b:s14+s3], $0x40, $0x38;
	[tilespmem:$0x1280] =	vst v63  }
0x11: {  	_ =	swait.ge [sflag:s16], $0x80  }
0x12: {  	[sflag:s16] =	ssyncset.done $0x0  }
0x13: {  	[sflag:s16] =	ssyncadd.s32 $0xFFFFFF80  }
0x14: {  	v1 =	vld [tilespmem:$0x0];
	_ =	sdelay $0x1  }
0x15: {  	v0 =	vlaneseq.u32  }
0x16: {  	v2 =	vmul.u32 $0xFFFFFFFF, v0;
	_ =	sdelay $0x1  }
0x17: {  	v2 =	vadd.s32 $0xF, v2;
	v3 =	vshll.u32 v1, $0x4  }
0x18: {  	v4 =	vmov s1;
	v2 =	vor.u32 v2, v3  }
0x19: {  	vm0 =	veq.s32 v4, v0;
	v3 =	vxor.u32 $0x80000000, v2  }
0x1a: {  	v4 =	vnsel vm0, $0x7FFFFFFF, v3  }
0x1b: {  	(xrf0) =	vmax.scan.msk.u32 $0xffff, v4;
	_ =	sdelay $0x5  }
0x1c: {  	v4, _, _ =	vpop (xrf0)  }
0x1d: {  	(v2sf) =	vpush v4, $0xF;
	_ =	sdelay $0xe  }
0x1e: {  	s17 =	spop (v2sf)  }
0x1f: {  	s2 =	sxor.u32 $0x80000000, s17  }
0x20: {  	vm1 =	vgt.s32 v2, s2;
	v2 =	vimm.s32 $0x0  }
0x21: {  	v1 =	vxor.u32 $0x80000000, v1;
	v2 =	vsel vm1, $0x1, v2  }
0x22: {  	v1 =	vnsel vm0, $0x7FFFFFFF, v1;
	(xrf0) =	vadd.scan.msk.s32 $0xffff, v2  }
0x23: {  	p0 =	sne.s32 s1, $0x0;
	(xrf0) =	vmax.scan.msk.u32 $0xffff, v1  }
0x24: {  	v1 =	vlaneseq.u32 @!p0  }
0x25: {  	(xrf1) =	vsort.dscd.msk.u32 @!p0 $0xffff, v3, v1;
	_ =	sdelay $0x2  }
0x26: {  	v1, _, _ =	vpop (xrf0)  }
0x27: {  	(v2sf) =	vpush v1, $0xF;
	v1, _, _ =	vpop (xrf0)  }
0x28: {  	(v2sf) =	vpush v1, $0xF;
	_ =	sdelay $0x8  }
0x29: {  	v1, _, _ =	vpop @!p0 (xrf1)  }
0x2a: {  	v1 =	vshrl.u32 @!p0 v1, $0x4  }
0x2b: {  	v1 =	vxor.u32 @!p0 $0x8000000, v1  }
0x2c: {  	s7 =	simm.s32 @!p0 $0x0;
	s8 =	simm.s32 @!p0 $0x1180;
	[tilespmem:$0x1180] =	vst @!p0 v1  }
0x2d: {  	[hbm4b:s9+s7] =	stream.linear.scatter @!p0 [tilespmem:s8], [sflag:$0x3], $0x80, $0x38;
	[tilespmem:$0x1280] =	vst v63  }
0x2e: {  	s2 =	spop (v2sf)  }
0x2f: {  	s19 =	simm.s32 $0x4;
	s18 =	spop (v2sf)  }
0x30: {  	_ =	swait.ge [sflag:s19], $0x80  }
0x31: {  	[sflag:s19] =	ssyncset.done $0x0  }
0x32: {  	[sflag:s19] =	ssyncadd.s32 $0xFFFFFF80  }
0x33: {  	v1 =	vld [tilespmem:$0x80];
	_ =	sdelay $0x1  }
0x34: {  	p1 =	sne.s32 s1, $0x1  }
0x35: {  	v2 =	vlaneseq.u32 @!p1  }
0x36: {  	(xrf1) =	vsort.dscd.msk.u32 @!p1 $0xffff, v3, v2  }
0x37: {  	v1 =	vxor.u32 $0x80000000, v1  }
0x38: {  	v1 =	vnsel vm0, $0x7FFFFFFF, v1  }
0x39: {  	(xrf0) =	vmax.scan.msk.u32 $0xffff, v1;
	_ =	sdelay $0x5  }
0x3a: {  	v1, _, _ =	vpop (xrf0)  }
0x3b: {  	(v2sf) =	vpush v1, $0xF;
	_ =	sdelay $0x3  }
0x3c: {  	_, v1, _ =	vpop @!p1 (xrf1);
	_ =	sdelay $0x2  }
0x3d: {  	s8 =	simm.s32 @!p1 $0x80  }
0x3e: {  	v1 =	vld.idx.msk @!p1 [tilespmem:v1+s8+$0x0], $0xffff;
	_ =	sdelay $0x4  }
0x3f: {  	s9 =	simm.s32 @!p1 $0x1200;
	s8 =	simm.s32 @!p1 $0x0;
	[tilespmem:$0x1200] =	vst @!p1 v1  }
0x40: {  	[hbm4b:s6+s8] =	stream.linear.scatter @!p1 [tilespmem:s9], [sflag:$0x3], $0x80, $0x38;
	[tilespmem:$0x1280] =	vst v63  }
0x41: {  	s21 =	simm.s32 $0x2;
	s20 =	spop (v2sf)  }
0x42: {  	_ =	swait.ge [sflag:s21], $0x40  }
0x43: {  	[sflag:s21] =	ssyncset.done $0x0  }
0x44: {  	[sflag:s21] =	ssyncadd.s32 $0xFFFFFFC0  }
0x45: {  	v1 =	vld [tilespmem:$0x1100]  }
0x46: {  	v2 =	vld [tilespmem:$0x1110]  }
0x47: {  	s6 =	sxor.u32 $0x80000000, s20;
	v3 =	vld [tilespmem:$0x1120]  }
0x48: {  	v4 =	vmov s6;
	v5 =	vld [tilespmem:$0x1130]  }
0x49: {  	v6 =	vor.u32 $0x10, v0;
	vm0 =	vgt.s32 v4, v0  }
0x4a: {  	v1 =	vnsel vm0, $0xFFFFFFFF, v1;
	vm0 =	vgt.s32 v4, v6;
	v6 =	vor.u32 $0x20, v0  }
0x4b: {  	[tilespmem:$0x1100] =	vst v1;
	v1 =	vnsel vm0, $0xFFFFFFFF, v2;
	vm0 =	vgt.s32 v4, v6;
	v2 =	vor.u32 $0x30, v0  }
0x4c: {  	s22 =	sshll.u32 s2, $0x3;
	[tilespmem:$0x1110] =	vst v1;
	v1 =	vnsel vm0, $0xFFFFFFFF, v3;
	vm0 =	vgt.s32 v4, v2  }
0x4d: {  	s23 =	sadd.s32 $0x2A00, s4;
	s6 =	sand.u32 $0x1FFFFFF8, s22;
	[tilespmem:$0x1120] =	vst v1;
	v1 =	vnsel vm0, $0xFFFFFFFF, v5  }
0x4e: {  	s24 =	simm.s32 $0x1;
	s6 =	sadd.s32 s23, s6;
	[tilespmem:$0x1130] =	vst v1  }
0x4f: {  	[hbm4b:s6+s3] =	stream.linear.scatter [tilespmem:s15], [sflag:$0x5], $0x40, $0x38;
	[tilespmem:$0x1280] =	vst v63  }
0x50: {  	_ =	swait.ge [sflag:s24], $0x1000  }
0x51: {  	[sflag:s24] =	ssyncset.done $0x0  }
0x52: {  	s6 =	simm.s32 $0x140;
	[sflag:s24] =	ssyncadd.s32 $0xFFFFF000  }
0x53: {  	v2 =	vld [tilespmem:s6+$0x30]  }
0x54: {  	v4 =	vld [tilespmem:s6+$0xFFFFFFC0]  }
0x55: {  	s26 =	simm.s32 $0x70;
	s25 =	sxor.u32 $0x80000000, s18;
	v5 =	vld [tilespmem:s6+$0xFFFFFFD0]  }
0x56: {  	v3 =	vor.u32 s26, v0;
	v1 =	vmov s25;
	v7 =	vld [tilespmem:s6+$0xFFFFFFE0]  }
0x57: {  	s28 =	simm.s32 $0x10;
	v8 =	vor.u32 s3, v0;
	vm0 =	vlt.s32 v3, v1;
	v6 =	vld [tilespmem:s6+$0xFFFFFFF0]  }
0x58: {  	s29 =	simm.s32 $0x20;
	vm1 =	vlt.s32 v8, v1;
	v8 =	vor.u32 s28, v0;
	v3 =	vld [tilespmem:s6+$0x0];
	v2 =	vnsel vm0, $0x0, v2  }
0x59: {  	s30 =	simm.s32 $0x30;
	v9 =	vnsel vm1, $0x0, v4;
	vm0 =	vlt.s32 v8, v1;
	v8 =	vor.u32 s29, v0;
	v4 =	vld [tilespmem:s6+$0x10];
	[tilespmem:s6+$0x30] =	vst v2  }
0x5a: {  	s31 =	simm.s32 $0x40;
	s4 =	sadd.s32 $0xA00, s4;
	s5 =	simm.s32 $0x1C0;
	[tilespmem:s6+$0xFFFFFFC0] =	vst v9;
	v9 =	vnsel vm0, $0x0, v5;
	vm0 =	vlt.s32 v8, v1;
	v8 =	vor.u32 s30, v0;
	v5 =	vld [tilespmem:s6+$0x20]  }
0x5b: {  	s7 =	simm.s32 $0x80;
	s8 =	simm.s32 $0x100;
	s9 =	simm.s32 $0x50;
	v2 =	vld [tilespmem:s5+$0x30];
	[tilespmem:s6+$0xFFFFFFD0] =	vst v9;
	v7 =	vnsel vm0, $0x0, v7;
	vm0 =	vlt.s32 v8, v1;
	v8 =	vor.u32 s31, v0  }
.LBB2_1:
0x5c: {  	p1 =	slt.u32 s8, $0xF80;
	v9 =	vld [tilespmem:s5+$0xFFFFFFC0];
	[tilespmem:s6+$0xFFFFFFE0] =	vst v7;
	v6 =	vnsel vm0, $0x0, v6;
	vm0 =	vlt.s32 v8, v1;
	v7 =	vor.u32 s9, v0;
	s9 =	sadd.s32 $0x60, s3;
	s3 =	smov.u32 s7  }
0x5d: {  	s7 =	smov.u32 s8;
	v8 =	vld [tilespmem:s5+$0xFFFFFFD0];
	s10 =	sadd.s32 $0x70, s3;
	[tilespmem:s6+$0xFFFFFFF0] =	vst v6;
	v3 =	vnsel vm0, $0x0, v3;
	vm0 =	vlt.s32 v7, v1;
	v6 =	vor.u32 s9, v0  }
0x5e: {  	v7 =	vld [tilespmem:s5+$0xFFFFFFE0];
	v10 =	vor.u32 s10, v0;
	[tilespmem:s6+$0x0] =	vst v3;
	v3 =	vnsel vm0, $0x0, v4;
	vm0 =	vlt.s32 v6, v1  }
.Ltmp0:
0x5f: {  	s9 =	sadd.s32 $0x10, s3;
	v4 =	vor.u32 s3, v0;
	v6 =	vld [tilespmem:s5+$0xFFFFFFF0];
	vm1 =	vlt.s32 v10, v1;
	[tilespmem:s6+$0x10] =	vst v3;
	v5 =	vnsel vm0, $0x0, v5;
	(pc) =	sbr.rel @p1 .LBB2_1-.Ltmp0, $4  }
0x60: {  	vm0 =	vlt.s32 v4, v1;
	v4 =	vor.u32 s9, v0;
	s9 =	sadd.s32 $0x20, s3;
	v3 =	vld [tilespmem:s5+$0x0];
	v2 =	vnsel vm1, $0x0, v2;
	[tilespmem:s6+$0x20] =	vst v5;
	s6 =	smov.u32 s5  }
0x61: {  	v5 =	vnsel vm0, $0x0, v9;
	vm0 =	vlt.s32 v4, v1;
	v9 =	vor.u32 s9, v0;
	s9 =	sadd.s32 $0x30, s3;
	v4 =	vld [tilespmem:s5+$0x10];
	[tilespmem:s5+$0x30] =	vst v2  }
0x62: {  	s5 =	sadd.s32 $0x80, s5;
	[tilespmem:s6+$0xFFFFFFC0] =	vst v5;
	v8 =	vnsel vm0, $0x0, v8;
	vm0 =	vlt.s32 v9, v1;
	v9 =	vor.u32 s9, v0;
	s9 =	sadd.s32 $0x40, s3;
	v5 =	vld [tilespmem:s6+$0x20]  }
0x63: {  	s8 =	sadd.s32 $0x80, s8;
	v2 =	vld [tilespmem:s5+$0x30];
	[tilespmem:s6+$0xFFFFFFD0] =	vst v8;
	v7 =	vnsel vm0, $0x0, v7;
	vm0 =	vlt.s32 v9, v1;
	v8 =	vor.u32 s9, v0;
	s9 =	sadd.s32 $0x50, s3  }
0x64: {  	v9 =	vld [tilespmem:s5+$0xFFFFFFC0];
	[tilespmem:s6+$0xFFFFFFE0] =	vst v7;
	v6 =	vnsel vm0, $0x0, v6;
	vm6 =	vlt.s32 v8, v1;
	v41 =	vor.u32 s9, v0;
	s3 =	sadd.s32 $0x60, s3  }
0x65: {  	v42 =	vld [tilespmem:s5+$0xFFFFFFD0];
	s8 =	sadd.s32 $0x70, s7;
	[tilespmem:s6+$0xFFFFFFF0] =	vst v6;
	v3 =	vnsel vm6, $0x0, v3;
	vm7 =	vlt.s32 v41, v1;
	v43 =	vor.u32 s3, v0  }
0x66: {  	v44 =	vld [tilespmem:s5+$0xFFFFFFE0];
	v10 =	vor.u32 s8, v0;
	[tilespmem:s6+$0x0] =	vst v3;
	v45 =	vnsel vm7, $0x0, v4;
	vm8 =	vlt.s32 v43, v1  }
0x67: {  	v46 =	vor.u32 s7, v0;
	s22 =	sadd.s32 $0x10, s7;
	v47 =	vld [tilespmem:s5+$0xFFFFFFF0];
	vm1 =	vlt.s32 v10, v1;
	[tilespmem:s6+$0x10] =	vst v45;
	v48 =	vnsel vm8, $0x0, v5  }
0x68: {  	s23 =	sadd.s32 $0x20, s7;
	v50 =	vld [tilespmem:s5+$0x0];
	vm9 =	vlt.s32 v46, v1;
	v49 =	vor.u32 s22, v0;
	v2 =	vnsel vm1, $0x0, v2;
	[tilespmem:s6+$0x20] =	vst v48  }
0x69: {  	s24 =	sadd.s32 $0x30, s7;
	v53 =	vld [tilespmem:s5+$0x10];
	v52 =	vor.u32 s23, v0;
	vm10 =	vlt.s32 v49, v1;
	v51 =	vnsel vm9, $0x0, v9;
	[tilespmem:s5+$0x30] =	vst v2  }
0x6a: {  	s25 =	sadd.s32 $0x40, s7;
	v56 =	vld [tilespmem:s5+$0x20];
	v55 =	vor.u32 s24, v0;
	vm11 =	vlt.s32 v52, v1;
	v54 =	vnsel vm10, $0x0, v42;
	[tilespmem:s5+$0xFFFFFFC0] =	vst v51  }
0x6b: {  	s26 =	sadd.s32 $0x50, s7;
	v58 =	vor.u32 s25, v0;
	vm12 =	vlt.s32 v55, v1;
	v57 =	vnsel vm11, $0x0, v44;
	[tilespmem:s5+$0xFFFFFFD0] =	vst v54  }
0x6c: {  	s28 =	sadd.s32 $0x60, s7;
	v60 =	vor.u32 s26, v0;
	vm13 =	vlt.s32 v58, v1;
	v59 =	vnsel vm12, $0x0, v47;
	[tilespmem:s5+$0xFFFFFFE0] =	vst v57  }
0x6d: {  	v62 =	vor.u32 s28, v0;
	vm14 =	vlt.s32 v60, v1;
	v61 =	vnsel vm13, $0x0, v50;
	[tilespmem:s5+$0xFFFFFFF0] =	vst v59  }
0x6e: {  	s2 =	sshll.u32 s2, $0x9;
	vm15 =	vlt.s32 v62, v1;
	v63 =	vnsel vm14, $0x0, v53;
	[tilespmem:s5+$0x0] =	vst v61  }
0x6f: {  	s29 =	simm.s32 $0x0;
	s2 =	sand.u32 $0x1FFFFE00, s2;
	v0 =	vnsel vm15, $0x0, v56;
	[tilespmem:s5+$0x10] =	vst v63  }
0x70: {  	s30 =	simm.s32 $0x100;
	s31 =	simm.s32 $0x5;
	s2 =	sadd.s32 s4, s2;
	[tilespmem:s5+$0x20] =	vst v0  }
0x71: {  	[hbm4b:s2+s29] =	stream.linear.scatter [tilespmem:s30], [sflag:$0x5], $0x1000, $0x38;
	[tilespmem:$0x1280] =	vst v63  }
0x72: {  	_ =	swait.ge [sflag:s31], $0x40  }
0x73: {  	[sflag:s31] =	ssyncset.done $0x0  }
0x74: {  	[sflag:s31] =	ssyncadd.s32 $0xFFFFFFC0  }
0x75: {  	_ =	swait.ge [sflag:s31], $0x1000  }
0x76: {  	p1 =	sgt.u32 s1, $0x1;
	[sflag:s31] =	ssyncset.done $0x0  }
0x77: {  	s1 =	simm.s32 @!p1 $0x3;
	[sflag:s31] =	ssyncadd.s32 $0xFFFFF000  }
0x78: {  	_ =	swait.ge @!p1 [sflag:s1], $0x80  }
0x79: {  	[sflag:s1] =	ssyncset.done @!p1 $0x0  }
0x7a: {  	[sflag:s1] =	ssyncadd.s32 @!p1 $0xFFFFFF80  }
0x7b: {  	_ =	sfence.sel $0x180000  }
0x7c: {  	[bflag:$0x0] =	sbarrier.arrive $0xFFFF  }
0x7d: {  	_ =	strace $0x90000047  }
0x7e: {  	s0 =	sadd.s32 @!p0 $0x100000, s0;
	[bflag:$0x2] =	sbarrier.arrive $0xFFFF  }
0x7f: {  	[sflag:s0] =	ssyncadd.tile.s32 @!p0 $0x1;
	_ =	shalt  }
.Lfunc_end2:
_tile_overlayer_lowered:
.L_overlay_start_2:
0x80: {  	(tag) =	ssettag $0x2  }
0x81: {  	s0 =	rddreg [dreg:$0x0];
	s2 =	stileid.u32  }
0x82: {  	s1 =	rddreg [dreg:$0x1];
	p0 =	sne.s32 s2, $0x0  }
0x83: {  	s3 =	rddreg [dreg:$0x2];
	[bflag:$0x3] =	sbarrier.arrive $0xFFFF;
	s2 =	simm.s32 @!p0 $0x1C06  }
0x84: {  	[timem:s3], [sflag:s2] =	dma.local @!p0 [hbm:s0], s1  }
0x85: {  	s0 =	simm.s32 @!p0 $0x6  }
0x86: {  	_ =	swait.ge @!p0 [sflag:s0], s1  }
0x87: {  	s1 =	ssub.s32 @!p0 $0x0, s1;
	[sflag:s0] =	ssyncset.done @!p0 $0x0  }
0x88: {  	[sflag:s0] =	ssyncadd.s32 @!p0 s1  }
0x89: {  	[bflag:$0x3] =	sbarrier.arrive $0xFFFF  }
0x8a: {  	_ =	shalt  }

</sc_bundles>
